<compile_context>
chip_gen: v7x
topology: tpu7x:2x2x1
jax: 0.10.2.dev20260603
libtpu: 0.0.44.dev20260713+nightly
codegen_flags: <defaults>
</compile_context>

<pallas_src>
import functools

import jax
import jax.numpy as jnp
from jax import lax
from jax.experimental import pallas as pl
from jax.experimental.pallas import tpu as pltpu
from jax.experimental.pallas import tpu_sc as plsc

IN_DIM = 1024
H1 = 1024
H2 = 512
H3 = 256
LATENT = 256
D = 32
K = 8192
BETA = 0.25
B = 1024

N_CODES = B * (LATENT // D)

BT = 256
NBT = B // BT
QT = 512
NQT = N_CODES // QT
KC = 2048
NKC = K // KC

SC_NC = 2
SC_NS = 16
SC_NW = SC_NC * SC_NS
ROWS_PER_W = N_CODES // SC_NW


def _lrelu(a):
    return jnp.where(a >= 0, a, 0.01 * a)



def _encoder_body(x_ref, w1_ref, b1_ref, w2_ref, b2_ref, w3_ref, b3_ref,
                  w4_ref, b4_ref, z_ref):
    h = _lrelu(jnp.dot(x_ref[...], w1_ref[...],
                       preferred_element_type=jnp.float32) + b1_ref[...])
    h = _lrelu(jnp.dot(h, w2_ref[...],
                       preferred_element_type=jnp.float32) + b2_ref[...])
    h = _lrelu(jnp.dot(h, w3_ref[...],
                       preferred_element_type=jnp.float32) + b3_ref[...])
    z_ref[...] = jnp.dot(h, w4_ref[...],
                         preferred_element_type=jnp.float32) + b4_ref[...]


def _encoder(x, eW1, eb1, eW2, eb2, eW3, eb3, eW4, eb4):
    const = lambda shape: pl.BlockSpec(shape, lambda i: (0, 0))
    return pl.pallas_call(
        _encoder_body,
        grid=(NBT,),
        in_specs=[
            pl.BlockSpec((BT, IN_DIM), lambda i: (i, 0)),
            const((IN_DIM, H1)), const((1, H1)),
            const((H1, H2)), const((1, H2)),
            const((H2, H3)), const((1, H3)),
            const((H3, LATENT)), const((1, LATENT)),
        ],
        out_specs=pl.BlockSpec((BT, LATENT), lambda i: (i, 0)),
        out_shape=jax.ShapeDtypeStruct((B, LATENT), jnp.float32),
    )(x, eW1, eb1.reshape(1, H1), eW2, eb2.reshape(1, H2),
      eW3, eb3.reshape(1, H3), eW4, eb4.reshape(1, LATENT))



def _argmin_body(r_ref, emb_ref, rsq_ref, esq_ref, idx_ref):
    r = r_ref[...]
    rsq = rsq_ref[...]
    best_val = None
    best_idx = None
    for c in range(NKC):
        emb_c = emb_ref[c * KC:(c + 1) * KC, :]
        esq = esq_ref[:, c * KC:(c + 1) * KC]
        s = (rsq + esq) - 2.0 * lax.dot_general(
            r, emb_c, (((1,), (1,)), ((), ())),
            preferred_element_type=jnp.float32)
        cmin = jnp.min(s, axis=1, keepdims=True)
        iota = lax.broadcasted_iota(jnp.int32, (QT, KC), 1) + c * KC
        cidx = jnp.min(jnp.where(s <= cmin, iota, K),
                       axis=1, keepdims=True)
        if c == 0:
            best_val, best_idx = cmin, cidx
        else:
            better = cmin < best_val
            best_idx = jnp.where(better, cidx, best_idx)
            best_val = jnp.minimum(cmin, best_val)
    idx_ref[...] = best_idx


def _vq_argmin(r, emb, rsq, esq):
    return pl.pallas_call(
        _argmin_body,
        grid=(NQT,),
        in_specs=[
            pl.BlockSpec((QT, D), lambda i: (i, 0)),
            pl.BlockSpec((K, D), lambda i: (0, 0)),
            pl.BlockSpec((QT, 1), lambda i: (i, 0)),
            pl.BlockSpec((1, K), lambda i: (0, 0)),
        ],
        out_specs=pl.BlockSpec((QT, 1), lambda i: (i, 0)),
        out_shape=jax.ShapeDtypeStruct((N_CODES, 1), jnp.int32),
    )(r, emb, rsq, esq)



def _sc_gather_body(table_hbm, idx_hbm, out_hbm, idx_v, rows_v, sem):
    wid = lax.axis_index("s") * SC_NC + lax.axis_index("c")
    base = wid * ROWS_PER_W
    pltpu.sync_copy(idx_hbm.at[pl.ds(base, ROWS_PER_W)], idx_v)
    pltpu.async_copy(table_hbm.at[idx_v], rows_v, sem).wait()
    pltpu.sync_copy(rows_v, out_hbm.at[pl.ds(base, ROWS_PER_W)])


def _sc_gather(emb, inds):
    mesh = plsc.VectorSubcoreMesh(core_axis_name="c", subcore_axis_name="s")
    k = pl.kernel(
        _sc_gather_body,
        out_type=jax.ShapeDtypeStruct((N_CODES, D), jnp.float32),
        mesh=mesh,
        compiler_params=pltpu.CompilerParams(use_tc_tiling_on_sc=False),
        scratch_types=[
            pltpu.VMEM((ROWS_PER_W,), jnp.int32),
            pltpu.VMEM((ROWS_PER_W, D), jnp.float32),
            pltpu.SemaphoreType.DMA,
        ],
    )
    return k(emb, inds)



def _decoder_body(z_ref, q_ref, x_ref, w1_ref, b1_ref, w2_ref, b2_ref,
                  w3_ref, b3_ref, w4_ref, b4_ref,
                  qst_ref, recon_ref, loss_ref, rl_ref, vq_ref):
    i = pl.program_id(0)
    zt = z_ref[...]
    dq = q_ref[...] - zt
    qst = zt + dq
    qst_ref[...] = qst
    vq_part = ((1.0 + BETA) * jnp.sum(dq * dq))[None, None]

    h = _lrelu(jnp.dot(qst, w1_ref[...],
                       preferred_element_type=jnp.float32) + b1_ref[...])
    h = _lrelu(jnp.dot(h, w2_ref[...],
                       preferred_element_type=jnp.float32) + b2_ref[...])
    h = _lrelu(jnp.dot(h, w3_ref[...],
                       preferred_element_type=jnp.float32) + b3_ref[...])
    logits = jnp.dot(h, w4_ref[...],
                     preferred_element_type=jnp.float32) + b4_ref[...]
    recon = 1.0 / (1.0 + jnp.exp(-logits))
    recon_ref[...] = recon

    rd = recon - x_ref[...]
    rl_part = jnp.sum(rd * rd)[None, None]

    @pl.when(i == 0)
    def _init():
        rl_ref[...] = rl_part
        vq_ref[...] = vq_part

    @pl.when(i > 0)
    def _acc():
        rl_ref[...] = rl_ref[...] + rl_part
        vq_ref[...] = vq_ref[...] + vq_part

    @pl.when(i == NBT - 1)
    def _finalize():
        rl = rl_ref[...] * (1.0 / B)
        vq = vq_ref[...] * (1.0 / B)
        rl_ref[...] = rl
        vq_ref[...] = vq
        loss_ref[...] = rl + vq


def _decoder(z, q, x, dW1, db1, dW2, db2, dW3, db3, dW4, db4):
    const = lambda shape: pl.BlockSpec(shape, lambda i: (0, 0))
    return pl.pallas_call(
        _decoder_body,
        grid=(NBT,),
        in_specs=[
            pl.BlockSpec((BT, LATENT), lambda i: (i, 0)),
            pl.BlockSpec((BT, LATENT), lambda i: (i, 0)),
            pl.BlockSpec((BT, IN_DIM), lambda i: (i, 0)),
            const((LATENT, H3)), const((1, H3)),
            const((H3, H2)), const((1, H2)),
            const((H2, H1)), const((1, H1)),
            const((H1, IN_DIM)), const((1, IN_DIM)),
        ],
        out_specs=[
            pl.BlockSpec((BT, LATENT), lambda i: (i, 0)),
            pl.BlockSpec((BT, IN_DIM), lambda i: (i, 0)),
            const((1, 1)), const((1, 1)), const((1, 1)),
        ],
        out_shape=[
            jax.ShapeDtypeStruct((B, LATENT), jnp.float32),
            jax.ShapeDtypeStruct((B, IN_DIM), jnp.float32),
            jax.ShapeDtypeStruct((1, 1), jnp.float32),
            jax.ShapeDtypeStruct((1, 1), jnp.float32),
            jax.ShapeDtypeStruct((1, 1), jnp.float32),
        ],
    )(z, q, x, dW1, db1.reshape(1, H3), dW2, db2.reshape(1, H2),
      dW3, db3.reshape(1, H1), dW4, db4.reshape(1, IN_DIM))



def kernel(x, eW1, eb1, eW2, eb2, eW3, eb3, eW4, eb4,
           dW1, db1, dW2, db2, dW3, db3, dW4, db4, emb):
    z = _encoder(x, eW1, eb1, eW2, eb2, eW3, eb3, eW4, eb4)
    r = z.reshape(N_CODES, D)
    rsq = jnp.sum(r ** 2, axis=1, keepdims=True)
    esq = jnp.sum(emb ** 2, axis=1).reshape(1, K)
    esq_t = jnp.sum(emb ** 2, axis=1)
    d_def = (rsq + esq_t) - 2.0 * (r @ emb.T)
    inds = jnp.argmin(d_def, axis=1).astype(jnp.int32).reshape(N_CODES, 1)
    q = _sc_gather(emb, inds.reshape(N_CODES)).reshape(B, LATENT)
    q_st, recon, loss, recon_loss, vq_loss = _decoder(
        z, q, x, dW1, db1, dW2, db2, dW3, db3, dW4, db4)
    return (z, q_st, recon,
            loss.reshape(()), recon_loss.reshape(()), vq_loss.reshape(()))

# --- scband reference (transcript-rebuilt; emitter-appended) ---
"""Pipeline reference for scband-vqvae-32109175504938 (READ-ONLY COPY).

The authoritative reference and input builder live on the scoring server;
editing this copy changes nothing except your own understanding.
"""

import jax, jax.numpy as jnp
import numpy as np

IN_DIM = 1024
H1 = 1024
H2 = 512
H3 = 256
LATENT = 256
D = 32
K = 8192
BETA = 0.25
B = 1024


def _linear_params(key, fan_in, fan_out):
    k1, k2 = jax.random.split(key)
    bound = 1.0 / np.sqrt(fan_in)
    W = jax.random.uniform(k1, (fan_in, fan_out), minval=-bound, maxval=bound, dtype=jnp.float32)
    b = jax.random.uniform(k2, (fan_out,), minval=-bound, maxval=bound, dtype=jnp.float32)
    return W, b


def setup_inputs(seed: int = 0) -> dict:
    key = jax.random.key(seed)
    ks = jax.random.split(key, 10)
    x = jax.random.uniform(ks[0], (B, IN_DIM), dtype=jnp.float32)
    eW1, eb1 = _linear_params(ks[1], IN_DIM, H1)
    eW2, eb2 = _linear_params(ks[2], H1, H2)
    eW3, eb3 = _linear_params(ks[3], H2, H3)
    eW4, eb4 = _linear_params(ks[4], H3, LATENT)
    dW1, db1 = _linear_params(ks[5], LATENT, H3)
    dW2, db2 = _linear_params(ks[6], H3, H2)
    dW3, db3 = _linear_params(ks[7], H2, H1)
    dW4, db4 = _linear_params(ks[8], H1, IN_DIM)
    emb = jax.random.uniform(ks[9], (K, D), minval=-1.0 / K, maxval=1.0 / K, dtype=jnp.float32)
    return {
        'x': x,
        'eW1': eW1, 'eb1': eb1, 'eW2': eW2, 'eb2': eb2,
        'eW3': eW3, 'eb3': eb3, 'eW4': eW4, 'eb4': eb4,
        'dW1': dW1, 'db1': db1, 'dW2': dW2, 'db2': db2,
        'dW3': dW3, 'db3': db3, 'dW4': dW4, 'db4': db4,
        'emb': emb,
    }


def _lrelu(a):
    return jnp.where(a >= 0, a, 0.01 * a)


def reference(x, eW1, eb1, eW2, eb2, eW3, eb3, eW4, eb4,
              dW1, db1, dW2, db2, dW3, db3, dW4, db4, emb):
    # encoder
    h = _lrelu(x @ eW1 + eb1)
    h = _lrelu(h @ eW2 + eb2)
    h = _lrelu(h @ eW3 + eb3)
    z = h @ eW4 + eb4
    # vector quantizer
    Bn = z.shape[0]
    n_codes = Bn * (LATENT // D)
    r = z.reshape(n_codes, D)
    dist = (jnp.sum(r ** 2, axis=1, keepdims=True)
            + jnp.sum(emb ** 2, axis=1)
            - 2.0 * (r @ emb.T))
    inds = jnp.argmin(dist, axis=1)
    one_hot = jnp.zeros((n_codes, K), dtype=jnp.float32).at[jnp.arange(n_codes), inds].set(1.0)
    q = (one_hot @ emb).reshape(z.shape)
    commitment_loss = jnp.mean(jnp.sum((jax.lax.stop_gradient(q) - z) ** 2, axis=1))
    embedding_loss = jnp.mean(jnp.sum((q - jax.lax.stop_gradient(z)) ** 2, axis=1))
    vq_loss = commitment_loss * BETA + embedding_loss
    q_st = z + jax.lax.stop_gradient(q - z)
    # decoder
    h = _lrelu(q_st @ dW1 + db1)
    h = _lrelu(h @ dW2 + db2)
    h = _lrelu(h @ dW3 + db3)
    recon = jax.nn.sigmoid(h @ dW4 + db4)
    # losses
    recon_loss = jnp.mean(jnp.sum((recon - x) ** 2, axis=-1))
    loss = recon_loss + vq_loss
    return (z, q_st, recon, loss, recon_loss, vq_loss)

if __name__ == "__main__":
    import jax
    _d = setup_inputs()
    print(jax.jit(kernel)(*tuple(_d.values())))

</pallas_src>

<mosaic_0001>
#map = affine_map<(d0, d1) -> (0, 0)>
#map1 = affine_map<(d0, d1) -> (0)>
module attributes {stable_mosaic.version = 14 : i64} {
  func.func @_sc_gather_body(%arg0: i32, %arg1: i32, %arg2: memref<8192x32xf32, #tpu.memory_space<hbm>>, %arg3: memref<8192xi32, #tpu.memory_space<hbm>>, %arg4: memref<8192x32xf32, #tpu.memory_space<hbm>>, %arg5: memref<256xi32, #tpu.memory_space<vmem>>, %arg6: memref<256x32xf32, #tpu.memory_space<vmem>>, %arg7: memref<!tpu.dma_semaphore, #tpu.memory_space<semaphore_mem>>) attributes {dimension_semantics = [#tpu.dimension_semantics<core_parallel>, #tpu.dimension_semantics<subcore_parallel>], iteration_bounds = array<i64: 2, 16>, scalar_prefetch = 0 : i64, scratch_operands = 3 : i64, tpu.core_type = #tpu.core_type<sc_vector_subcore>, window_params = [{transform_indices = #map}, {transform_indices = #map1}, {transform_indices = #map}]} {
    %mul3A = arith.constant 2 : i32
    %mul3A_0 = arith.muli %arg1, %mul3A : i32
    %add3A = arith.addi %mul3A_0, %arg0 : i32
    %mul3A_1 = arith.constant 256 : i32
    %mul3A_2 = arith.muli %add3A, %mul3A_1 : i32
    "tpu.region"() ({
      %run_scoped3A = tpu.sem_alloc : memref<!tpu.dma_semaphore, #tpu.memory_space<semaphore_mem>>
      %dma_start3A_7 = tpu.memref_slice %arg3[%mul3A_2] : memref<8192xi32, #tpu.memory_space<hbm>> -> memref<256xi32, #tpu.memory_space<hbm>>
      %dma_start3A_8 = tpu.memref_slice %arg3[%mul3A_2] : memref<8192xi32, #tpu.memory_space<hbm>> -> memref<256xi32, #tpu.memory_space<hbm>>
      tpu.enqueue_dma source(%dma_start3A_8 : memref<256xi32, #tpu.memory_space<hbm>>) target(%arg5 : memref<256xi32, #tpu.memory_space<vmem>>) target_semaphore(%run_scoped3A : memref<!tpu.dma_semaphore, #tpu.memory_space<semaphore_mem>>)
      %dma_wait3A_9 = tpu.memref_slice %arg3[%mul3A_2] : memref<8192xi32, #tpu.memory_space<hbm>> -> memref<256xi32, #tpu.memory_space<hbm>>
      %dma_wait3A_10 = tpu.memref_slice %arg3[%mul3A_2] : memref<8192xi32, #tpu.memory_space<hbm>> -> memref<256xi32, #tpu.memory_space<hbm>>
      tpu.wait_dma2 semaphore(%run_scoped3A : memref<!tpu.dma_semaphore, #tpu.memory_space<semaphore_mem>>) src(%dma_wait3A_10 : memref<256xi32, #tpu.memory_space<hbm>>) dst(%arg5 : memref<256xi32, #tpu.memory_space<vmem>>)
      tpu.yield
    }) : () -> ()
    %dma_start3A = arith.constant 0 : i32
    %dma_start3A_3 = arith.constant 0 : i32
    %dma_start3A_4 = tpu.memref_slice %arg2[%dma_start3A, %dma_start3A_3] : memref<8192x32xf32, #tpu.memory_space<hbm>> -> memref<8192x32xf32, #tpu.memory_space<hbm>>
    tpu.enqueue_indirect_dma source(%dma_start3A_4 : memref<8192x32xf32, #tpu.memory_space<hbm>>) target(%arg6 : memref<256x32xf32, #tpu.memory_space<vmem>>) offsets(%arg5 : memref<256xi32, #tpu.memory_space<vmem>>) semaphore(%arg7 : memref<!tpu.dma_semaphore, #tpu.memory_space<semaphore_mem>>)
    %dma_wait3A = arith.constant 0 : i32
    %dma_wait3A_5 = arith.constant 0 : i32
    %dma_wait3A_6 = tpu.memref_slice %arg2[%dma_wait3A, %dma_wait3A_5] : memref<8192x32xf32, #tpu.memory_space<hbm>> -> memref<8192x32xf32, #tpu.memory_space<hbm>>
    tpu.wait_indirect_dma semaphore(%arg7 : memref<!tpu.dma_semaphore, #tpu.memory_space<semaphore_mem>>) src(%dma_wait3A_6 : memref<8192x32xf32, #tpu.memory_space<hbm>>) dst(%arg6 : memref<256x32xf32, #tpu.memory_space<vmem>>)
    "tpu.region"() ({
      %run_scoped3A = tpu.sem_alloc : memref<!tpu.dma_semaphore, #tpu.memory_space<semaphore_mem>>
      %dma_start3A_7 = arith.constant 0 : i32
      %dma_start3A_8 = tpu.memref_slice %arg4[%mul3A_2, %dma_start3A_7] : memref<8192x32xf32, #tpu.memory_space<hbm>> -> memref<256x32xf32, #tpu.memory_space<hbm>>
      %dma_start3A_9 = arith.constant 0 : i32
      %dma_start3A_10 = tpu.memref_slice %arg4[%mul3A_2, %dma_start3A_9] : memref<8192x32xf32, #tpu.memory_space<hbm>> -> memref<256x32xf32, #tpu.memory_space<hbm>>
      tpu.enqueue_dma source(%arg6 : memref<256x32xf32, #tpu.memory_space<vmem>>) target(%dma_start3A_10 : memref<256x32xf32, #tpu.memory_space<hbm>>) target_semaphore(%run_scoped3A : memref<!tpu.dma_semaphore, #tpu.memory_space<semaphore_mem>>)
      %dma_wait3A_11 = arith.constant 0 : i32
      %dma_wait3A_12 = tpu.memref_slice %arg4[%mul3A_2, %dma_wait3A_11] : memref<8192x32xf32, #tpu.memory_space<hbm>> -> memref<256x32xf32, #tpu.memory_space<hbm>>
      %dma_wait3A_13 = arith.constant 0 : i32
      %dma_wait3A_14 = tpu.memref_slice %arg4[%mul3A_2, %dma_wait3A_13] : memref<8192x32xf32, #tpu.memory_space<hbm>> -> memref<256x32xf32, #tpu.memory_space<hbm>>
      tpu.wait_dma2 semaphore(%run_scoped3A : memref<!tpu.dma_semaphore, #tpu.memory_space<semaphore_mem>>) src(%arg6 : memref<256x32xf32, #tpu.memory_space<vmem>>) dst(%dma_wait3A_14 : memref<256x32xf32, #tpu.memory_space<hbm>>)
      tpu.yield
    }) : () -> ()
    return
  }
}

module attributes {stable_mosaic.version = 14 : i64} {
  func.func @_encoder_body(%arg0: i32, %arg1: memref<256x1024xf32, #tpu.memory_space<vmem>>, %arg2: memref<1024x1024xf32, #tpu.memory_space<vmem>>, %arg3: memref<1x1024xf32, #tpu.memory_space<vmem>>, %arg4: memref<1024x512xf32, #tpu.memory_space<vmem>>, %arg5: memref<1x512xf32, #tpu.memory_space<vmem>>, %arg6: memref<512x256xf32, #tpu.memory_space<vmem>>, %arg7: memref<1x256xf32, #tpu.memory_space<vmem>>, %arg8: memref<256x256xf32, #tpu.memory_space<vmem>>, %arg9: memref<1x256xf32, #tpu.memory_space<vmem>>, %arg10: memref<256x256xf32, #tpu.memory_space<vmem>>) attributes {dimension_semantics = [#tpu.dimension_semantics<arbitrary>], iteration_bounds = array<i64: 4>, scalar_prefetch = 0 : i64, scratch_operands = 0 : i64, tpu.core_type = #tpu.core_type<tc>, window_params = [{transform_indices = @transform_0, window_bounds = array<i64: 256, 1024>}, {pipeline_mode = #tpu.pipeline_mode<synchronous>, transform_indices = @transform_1, window_bounds = array<i64: 1024, 1024>}, {pipeline_mode = #tpu.pipeline_mode<synchronous>, transform_indices = @transform_2, window_bounds = array<i64: 1, 1024>}, {pipeline_mode = #tpu.pipeline_mode<synchronous>, transform_indices = @transform_3, window_bounds = array<i64: 1024, 512>}, {pipeline_mode = #tpu.pipeline_mode<synchronous>, transform_indices = @transform_4, window_bounds = array<i64: 1, 512>}, {pipeline_mode = #tpu.pipeline_mode<synchronous>, transform_indices = @transform_5, window_bounds = array<i64: 512, 256>}, {pipeline_mode = #tpu.pipeline_mode<synchronous>, transform_indices = @transform_6, window_bounds = array<i64: 1, 256>}, {pipeline_mode = #tpu.pipeline_mode<synchronous>, transform_indices = @transform_7, window_bounds = array<i64: 256, 256>}, {pipeline_mode = #tpu.pipeline_mode<synchronous>, transform_indices = @transform_8, window_bounds = array<i64: 1, 256>}, {transform_indices = @transform_9, window_bounds = array<i64: 256, 256>}]} {
    %get3A = arith.constant 0 : index
    %get3A_0 = arith.constant 0 : index
    %get3A_1 = vector.load %arg1[%get3A, %get3A_0] : memref<256x1024xf32, #tpu.memory_space<vmem>>, vector<256x1024xf32>
    %get3A_2 = arith.constant 0 : index
    %get3A_3 = arith.constant 0 : index
    %get3A_4 = vector.load %arg2[%get3A_2, %get3A_3] : memref<1024x1024xf32, #tpu.memory_space<vmem>>, vector<1024x1024xf32>
    %dot_general3A = arith.constant dense<0.000000e+00> : vector<256x1024xf32>
    %dot_general3A_5 = tpu.matmul %get3A_1, %get3A_4, %dot_general3A {dimension_numbers = #tpu.dot_dimension_numbers<[1], [0], [0], [1], [0, 0, 1, 1], [], []>, transpose_lhs_hint = false} : vector<256x1024xf32>, vector<1024x1024xf32>, vector<256x1024xf32> -> vector<256x1024xf32>
    %get3A_6 = arith.constant 0 : index
    %get3A_7 = arith.constant 0 : index
    %get3A_8 = vector.load %arg3[%get3A_6, %get3A_7] : memref<1x1024xf32, #tpu.memory_space<vmem>>, vector<1x1024xf32>
    %add3A = vector.broadcast %get3A_8 : vector<1x1024xf32> to vector<256x1024xf32>
    %add3A_9 = arith.addf %dot_general3A_5, %add3A : vector<256x1024xf32>
    %ge3A = arith.constant 0.000000e+00 : f32
    %ge3A_10 = vector.broadcast %ge3A : f32 to vector<256x1024xf32>
    %ge3A_11 = arith.cmpf oge, %add3A_9, %ge3A_10 : vector<256x1024xf32>
    %mul3A = arith.constant 0.00999999977 : f32
    %mul3A_12 = vector.broadcast %mul3A : f32 to vector<256x1024xf32>
    %mul3A_13 = arith.mulf %mul3A_12, %add3A_9 : vector<256x1024xf32>
    %select_n3A = arith.select %ge3A_11, %add3A_9, %mul3A_13 : vector<256x1024xi1>, vector<256x1024xf32>
    %get3A_14 = arith.constant 0 : index
    %get3A_15 = arith.constant 0 : index
    %get3A_16 = vector.load %arg4[%get3A_14, %get3A_15] : memref<1024x512xf32, #tpu.memory_space<vmem>>, vector<1024x512xf32>
    %dot_general3A_17 = arith.constant dense<0.000000e+00> : vector<256x512xf32>
    %dot_general3A_18 = tpu.matmul %select_n3A, %get3A_16, %dot_general3A_17 {dimension_numbers = #tpu.dot_dimension_numbers<[1], [0], [0], [1], [0, 0, 1, 1], [], []>, transpose_lhs_hint = false} : vector<256x1024xf32>, vector<1024x512xf32>, vector<256x512xf32> -> vector<256x512xf32>
    %get3A_19 = arith.constant 0 : index
    %get3A_20 = arith.constant 0 : index
    %get3A_21 = vector.load %arg5[%get3A_19, %get3A_20] : memref<1x512xf32, #tpu.memory_space<vmem>>, vector<1x512xf32>
    %add3A_22 = vector.broadcast %get3A_21 : vector<1x512xf32> to vector<256x512xf32>
    %add3A_23 = arith.addf %dot_general3A_18, %add3A_22 : vector<256x512xf32>
    %ge3A_24 = arith.constant 0.000000e+00 : f32
    %ge3A_25 = vector.broadcast %ge3A_24 : f32 to vector<256x512xf32>
    %ge3A_26 = arith.cmpf oge, %add3A_23, %ge3A_25 : vector<256x512xf32>
    %mul3A_27 = arith.constant 0.00999999977 : f32
    %mul3A_28 = vector.broadcast %mul3A_27 : f32 to vector<256x512xf32>
    %mul3A_29 = arith.mulf %mul3A_28, %add3A_23 : vector<256x512xf32>
    %select_n3A_30 = arith.select %ge3A_26, %add3A_23, %mul3A_29 : vector<256x512xi1>, vector<256x512xf32>
    %get3A_31 = arith.constant 0 : index
    %get3A_32 = arith.constant 0 : index
    %get3A_33 = vector.load %arg6[%get3A_31, %get3A_32] : memref<512x256xf32, #tpu.memory_space<vmem>>, vector<512x256xf32>
    %dot_general3A_34 = arith.constant dense<0.000000e+00> : vector<256x256xf32>
    %dot_general3A_35 = tpu.matmul %select_n3A_30, %get3A_33, %dot_general3A_34 {dimension_numbers = #tpu.dot_dimension_numbers<[1], [0], [0], [1], [0, 0, 1, 1], [], []>, transpose_lhs_hint = false} : vector<256x512xf32>, vector<512x256xf32>, vector<256x256xf32> -> vector<256x256xf32>
    %get3A_36 = arith.constant 0 : index
    %get3A_37 = arith.constant 0 : index
    %get3A_38 = vector.load %arg7[%get3A_36, %get3A_37] : memref<1x256xf32, #tpu.memory_space<vmem>>, vector<1x256xf32>
    %add3A_39 = vector.broadcast %get3A_38 : vector<1x256xf32> to vector<256x256xf32>
    %add3A_40 = arith.addf %dot_general3A_35, %add3A_39 : vector<256x256xf32>
    %ge3A_41 = arith.constant 0.000000e+00 : f32
    %ge3A_42 = vector.broadcast %ge3A_41 : f32 to vector<256x256xf32>
    %ge3A_43 = arith.cmpf oge, %add3A_40, %ge3A_42 : vector<256x256xf32>
    %mul3A_44 = arith.constant 0.00999999977 : f32
    %mul3A_45 = vector.broadcast %mul3A_44 : f32 to vector<256x256xf32>
    %mul3A_46 = arith.mulf %mul3A_45, %add3A_40 : vector<256x256xf32>
    %select_n3A_47 = arith.select %ge3A_43, %add3A_40, %mul3A_46 : vector<256x256xi1>, vector<256x256xf32>
    %get3A_48 = arith.constant 0 : index
    %get3A_49 = arith.constant 0 : index
    %get3A_50 = vector.load %arg8[%get3A_48, %get3A_49] : memref<256x256xf32, #tpu.memory_space<vmem>>, vector<256x256xf32>
    %dot_general3A_51 = arith.constant dense<0.000000e+00> : vector<256x256xf32>
    %dot_general3A_52 = tpu.matmul %select_n3A_47, %get3A_50, %dot_general3A_51 {dimension_numbers = #tpu.dot_dimension_numbers<[1], [0], [0], [1], [0, 0, 1, 1], [], []>, transpose_lhs_hint = false} : vector<256x256xf32>, vector<256x256xf32>, vector<256x256xf32> -> vector<256x256xf32>
    %get3A_53 = arith.constant 0 : index
    %get3A_54 = arith.constant 0 : index
    %get3A_55 = vector.load %arg9[%get3A_53, %get3A_54] : memref<1x256xf32, #tpu.memory_space<vmem>>, vector<1x256xf32>
    %add3A_56 = vector.broadcast %get3A_55 : vector<1x256xf32> to vector<256x256xf32>
    %add3A_57 = arith.addf %dot_general3A_52, %add3A_56 : vector<256x256xf32>
    %swap3A = arith.constant 0 : index
    %swap3A_58 = arith.constant 0 : index
    %swap3A_59 = vector.load %arg10[%swap3A, %swap3A_58] : memref<256x256xf32, #tpu.memory_space<vmem>>, vector<256x256xf32>
    tpu.vector_store %arg10[%swap3A, %swap3A_58], %add3A_57 {strides = array<i32>} : memref<256x256xf32, #tpu.memory_space<vmem>>, vector<256x256xf32>,
    return
  }
  func.func @transform_0(%arg0: i32) -> (i32, i32) {
    %c0_i32 = arith.constant 0 : i32
    %c0_i32_0 = arith.constant 0 : i32
    return %arg0, %c0_i32 : i32, i32
  }
  func.func @transform_1(%arg0: i32) -> (i32, i32) {
    %c0_i32 = arith.constant 0 : i32
    %c0_i32_0 = arith.constant 0 : i32
    %c0_i32_1 = arith.constant 0 : i32
    return %c0_i32, %c0_i32_0 : i32, i32
  }
  func.func @transform_2(%arg0: i32) -> (i32, i32) {
    %c0_i32 = arith.constant 0 : i32
    %c0_i32_0 = arith.constant 0 : i32
    %c0_i32_1 = arith.constant 0 : i32
    return %c0_i32, %c0_i32_0 : i32, i32
  }
  func.func @transform_3(%arg0: i32) -> (i32, i32) {
    %c0_i32 = arith.constant 0 : i32
    %c0_i32_0 = arith.constant 0 : i32
    %c0_i32_1 = arith.constant 0 : i32
    return %c0_i32, %c0_i32_0 : i32, i32
  }
  func.func @transform_4(%arg0: i32) -> (i32, i32) {
    %c0_i32 = arith.constant 0 : i32
    %c0_i32_0 = arith.constant 0 : i32
    %c0_i32_1 = arith.constant 0 : i32
    return %c0_i32, %c0_i32_0 : i32, i32
  }
  func.func @transform_5(%arg0: i32) -> (i32, i32) {
    %c0_i32 = arith.constant 0 : i32
    %c0_i32_0 = arith.constant 0 : i32
    %c0_i32_1 = arith.constant 0 : i32
    return %c0_i32, %c0_i32_0 : i32, i32
  }
  func.func @transform_6(%arg0: i32) -> (i32, i32) {
    %c0_i32 = arith.constant 0 : i32
    %c0_i32_0 = arith.constant 0 : i32
    %c0_i32_1 = arith.constant 0 : i32
    return %c0_i32, %c0_i32_0 : i32, i32
  }
  func.func @transform_7(%arg0: i32) -> (i32, i32) {
    %c0_i32 = arith.constant 0 : i32
    %c0_i32_0 = arith.constant 0 : i32
    %c0_i32_1 = arith.constant 0 : i32
    return %c0_i32, %c0_i32_0 : i32, i32
  }
  func.func @transform_8(%arg0: i32) -> (i32, i32) {
    %c0_i32 = arith.constant 0 : i32
    %c0_i32_0 = arith.constant 0 : i32
    %c0_i32_1 = arith.constant 0 : i32
    return %c0_i32, %c0_i32_0 : i32, i32
  }
  func.func @transform_9(%arg0: i32) -> (i32, i32) {
    %c0_i32 = arith.constant 0 : i32
    %c0_i32_0 = arith.constant 0 : i32
    return %arg0, %c0_i32 : i32, i32
  }
}

module attributes {stable_mosaic.version = 14 : i64} {
  func.func @_decoder_body(%arg0: i32, %arg1: memref<256x256xf32, #tpu.memory_space<vmem>>, %arg2: memref<256x256xf32, #tpu.memory_space<vmem>>, %arg3: memref<256x1024xf32, #tpu.memory_space<vmem>>, %arg4: memref<256x256xf32, #tpu.memory_space<vmem>>, %arg5: memref<1x256xf32, #tpu.memory_space<vmem>>, %arg6: memref<256x512xf32, #tpu.memory_space<vmem>>, %arg7: memref<1x512xf32, #tpu.memory_space<vmem>>, %arg8: memref<512x1024xf32, #tpu.memory_space<vmem>>, %arg9: memref<1x1024xf32, #tpu.memory_space<vmem>>, %arg10: memref<1024x1024xf32, #tpu.memory_space<vmem>>, %arg11: memref<1x1024xf32, #tpu.memory_space<vmem>>, %arg12: memref<256x256xf32, #tpu.memory_space<vmem>>, %arg13: memref<256x1024xf32, #tpu.memory_space<vmem>>, %arg14: memref<1x1xf32, #tpu.memory_space<vmem>>, %arg15: memref<1x1xf32, #tpu.memory_space<vmem>>, %arg16: memref<1x1xf32, #tpu.memory_space<vmem>>) attributes {dimension_semantics = [#tpu.dimension_semantics<arbitrary>], iteration_bounds = array<i64: 4>, scalar_prefetch = 0 : i64, scratch_operands = 0 : i64, tpu.core_type = #tpu.core_type<tc>, window_params = [{transform_indices = @transform_0, window_bounds = array<i64: 256, 256>}, {transform_indices = @transform_1, window_bounds = array<i64: 256, 256>}, {transform_indices = @transform_2, window_bounds = array<i64: 256, 1024>}, {pipeline_mode = #tpu.pipeline_mode<synchronous>, transform_indices = @transform_3, window_bounds = array<i64: 256, 256>}, {pipeline_mode = #tpu.pipeline_mode<synchronous>, transform_indices = @transform_4, window_bounds = array<i64: 1, 256>}, {pipeline_mode = #tpu.pipeline_mode<synchronous>, transform_indices = @transform_5, window_bounds = array<i64: 256, 512>}, {pipeline_mode = #tpu.pipeline_mode<synchronous>, transform_indices = @transform_6, window_bounds = array<i64: 1, 512>}, {pipeline_mode = #tpu.pipeline_mode<synchronous>, transform_indices = @transform_7, window_bounds = array<i64: 512, 1024>}, {pipeline_mode = #tpu.pipeline_mode<synchronous>, transform_indices = @transform_8, window_bounds = array<i64: 1, 1024>}, {pipeline_mode = #tpu.pipeline_mode<synchronous>, transform_indices = @transform_9, window_bounds = array<i64: 1024, 1024>}, {pipeline_mode = #tpu.pipeline_mode<synchronous>, transform_indices = @transform_10, window_bounds = array<i64: 1, 1024>}, {transform_indices = @transform_11, window_bounds = array<i64: 256, 256>}, {transform_indices = @transform_12, window_bounds = array<i64: 256, 1024>}, {pipeline_mode = #tpu.pipeline_mode<synchronous>, transform_indices = @transform_13, window_bounds = array<i64: 1, 1>}, {pipeline_mode = #tpu.pipeline_mode<synchronous>, transform_indices = @transform_14, window_bounds = array<i64: 1, 1>}, {pipeline_mode = #tpu.pipeline_mode<synchronous>, transform_indices = @transform_15, window_bounds = array<i64: 1, 1>}]} {
    %get3A = arith.constant 0 : index
    %get3A_0 = arith.constant 0 : index
    %get3A_1 = vector.load %arg1[%get3A, %get3A_0] : memref<256x256xf32, #tpu.memory_space<vmem>>, vector<256x256xf32>
    %get3A_2 = arith.constant 0 : index
    %get3A_3 = arith.constant 0 : index
    %get3A_4 = vector.load %arg2[%get3A_2, %get3A_3] : memref<256x256xf32, #tpu.memory_space<vmem>>, vector<256x256xf32>
    %sub3A = arith.subf %get3A_4, %get3A_1 : vector<256x256xf32>
    %add3A = arith.addf %get3A_1, %sub3A : vector<256x256xf32>
    %swap3A = arith.constant 0 : index
    %swap3A_5 = arith.constant 0 : index
    %swap3A_6 = vector.load %arg12[%swap3A, %swap3A_5] : memref<256x256xf32, #tpu.memory_space<vmem>>, vector<256x256xf32>
    tpu.vector_store %arg12[%swap3A, %swap3A_5], %add3A {strides = array<i32>} : memref<256x256xf32, #tpu.memory_space<vmem>>, vector<256x256xf32>,
    %mul3A = arith.mulf %sub3A, %sub3A : vector<256x256xf32>
    %reduce_sum3A = vector.shape_cast %mul3A : vector<256x256xf32> to vector<1x256x256xf32>
    %reduce_sum3A_7 = arith.constant dense<0.000000e+00> : vector<1xf32>
    %reduce_sum3A_8 = vector.multi_reduction <add>, %reduce_sum3A, %reduce_sum3A_7 [1, 2] : vector<1x256x256xf32> to vector<1xf32>
    %reduce_sum3A_9 = vector.shape_cast %reduce_sum3A_8 : vector<1xf32> to vector<1x1x1xf32>
    %reduce_sum3A_10 = vector.extract %reduce_sum3A_9[0, 0, 0] : f32 from vector<1x1x1xf32>
    %mul3A_11 = arith.constant 1.250000e+00 : f32
    %mul3A_12 = arith.mulf %mul3A_11, %reduce_sum3A_10 : f32
    %broadcast_in_dim3A = vector.broadcast %mul3A_12 : f32 to vector<1x1xf32>
    %get3A_13 = arith.constant 0 : index
    %get3A_14 = arith.constant 0 : index
    %get3A_15 = vector.load %arg4[%get3A_13, %get3A_14] : memref<256x256xf32, #tpu.memory_space<vmem>>, vector<256x256xf32>
    %dot_general3A = arith.constant dense<0.000000e+00> : vector<256x256xf32>
    %dot_general3A_16 = tpu.matmul %add3A, %get3A_15, %dot_general3A {dimension_numbers = #tpu.dot_dimension_numbers<[1], [0], [0], [1], [0, 0, 1, 1], [], []>, transpose_lhs_hint = false} : vector<256x256xf32>, vector<256x256xf32>, vector<256x256xf32> -> vector<256x256xf32>
    %get3A_17 = arith.constant 0 : index
    %get3A_18 = arith.constant 0 : index
    %get3A_19 = vector.load %arg5[%get3A_17, %get3A_18] : memref<1x256xf32, #tpu.memory_space<vmem>>, vector<1x256xf32>
    %add3A_20 = vector.broadcast %get3A_19 : vector<1x256xf32> to vector<256x256xf32>
    %add3A_21 = arith.addf %dot_general3A_16, %add3A_20 : vector<256x256xf32>
    %ge3A = arith.constant 0.000000e+00 : f32
    %ge3A_22 = vector.broadcast %ge3A : f32 to vector<256x256xf32>
    %ge3A_23 = arith.cmpf oge, %add3A_21, %ge3A_22 : vector<256x256xf32>
    %mul3A_24 = arith.constant 0.00999999977 : f32
    %mul3A_25 = vector.broadcast %mul3A_24 : f32 to vector<256x256xf32>
    %mul3A_26 = arith.mulf %mul3A_25, %add3A_21 : vector<256x256xf32>
    %select_n3A = arith.select %ge3A_23, %add3A_21, %mul3A_26 : vector<256x256xi1>, vector<256x256xf32>
    %get3A_27 = arith.constant 0 : index
    %get3A_28 = arith.constant 0 : index
    %get3A_29 = vector.load %arg6[%get3A_27, %get3A_28] : memref<256x512xf32, #tpu.memory_space<vmem>>, vector<256x512xf32>
    %dot_general3A_30 = arith.constant dense<0.000000e+00> : vector<256x512xf32>
    %dot_general3A_31 = tpu.matmul %select_n3A, %get3A_29, %dot_general3A_30 {dimension_numbers = #tpu.dot_dimension_numbers<[1], [0], [0], [1], [0, 0, 1, 1], [], []>, transpose_lhs_hint = false} : vector<256x256xf32>, vector<256x512xf32>, vector<256x512xf32> -> vector<256x512xf32>
    %get3A_32 = arith.constant 0 : index
    %get3A_33 = arith.constant 0 : index
    %get3A_34 = vector.load %arg7[%get3A_32, %get3A_33] : memref<1x512xf32, #tpu.memory_space<vmem>>, vector<1x512xf32>
    %add3A_35 = vector.broadcast %get3A_34 : vector<1x512xf32> to vector<256x512xf32>
    %add3A_36 = arith.addf %dot_general3A_31, %add3A_35 : vector<256x512xf32>
    %ge3A_37 = arith.constant 0.000000e+00 : f32
    %ge3A_38 = vector.broadcast %ge3A_37 : f32 to vector<256x512xf32>
    %ge3A_39 = arith.cmpf oge, %add3A_36, %ge3A_38 : vector<256x512xf32>
    %mul3A_40 = arith.constant 0.00999999977 : f32
    %mul3A_41 = vector.broadcast %mul3A_40 : f32 to vector<256x512xf32>
    %mul3A_42 = arith.mulf %mul3A_41, %add3A_36 : vector<256x512xf32>
    %select_n3A_43 = arith.select %ge3A_39, %add3A_36, %mul3A_42 : vector<256x512xi1>, vector<256x512xf32>
    %get3A_44 = arith.constant 0 : index
    %get3A_45 = arith.constant 0 : index
    %get3A_46 = vector.load %arg8[%get3A_44, %get3A_45] : memref<512x1024xf32, #tpu.memory_space<vmem>>, vector<512x1024xf32>
    %dot_general3A_47 = arith.constant dense<0.000000e+00> : vector<256x1024xf32>
    %dot_general3A_48 = tpu.matmul %select_n3A_43, %get3A_46, %dot_general3A_47 {dimension_numbers = #tpu.dot_dimension_numbers<[1], [0], [0], [1], [0, 0, 1, 1], [], []>, transpose_lhs_hint = false} : vector<256x512xf32>, vector<512x1024xf32>, vector<256x1024xf32> -> vector<256x1024xf32>
    %get3A_49 = arith.constant 0 : index
    %get3A_50 = arith.constant 0 : index
    %get3A_51 = vector.load %arg9[%get3A_49, %get3A_50] : memref<1x1024xf32, #tpu.memory_space<vmem>>, vector<1x1024xf32>
    %add3A_52 = vector.broadcast %get3A_51 : vector<1x1024xf32> to vector<256x1024xf32>
    %add3A_53 = arith.addf %dot_general3A_48, %add3A_52 : vector<256x1024xf32>
    %ge3A_54 = arith.constant 0.000000e+00 : f32
    %ge3A_55 = vector.broadcast %ge3A_54 : f32 to vector<256x1024xf32>
    %ge3A_56 = arith.cmpf oge, %add3A_53, %ge3A_55 : vector<256x1024xf32>
    %mul3A_57 = arith.constant 0.00999999977 : f32
    %mul3A_58 = vector.broadcast %mul3A_57 : f32 to vector<256x1024xf32>
    %mul3A_59 = arith.mulf %mul3A_58, %add3A_53 : vector<256x1024xf32>
    %select_n3A_60 = arith.select %ge3A_56, %add3A_53, %mul3A_59 : vector<256x1024xi1>, vector<256x1024xf32>
    %get3A_61 = arith.constant 0 : index
    %get3A_62 = arith.constant 0 : index
    %get3A_63 = vector.load %arg10[%get3A_61, %get3A_62] : memref<1024x1024xf32, #tpu.memory_space<vmem>>, vector<1024x1024xf32>
    %dot_general3A_64 = arith.constant dense<0.000000e+00> : vector<256x1024xf32>
    %dot_general3A_65 = tpu.matmul %select_n3A_60, %get3A_63, %dot_general3A_64 {dimension_numbers = #tpu.dot_dimension_numbers<[1], [0], [0], [1], [0, 0, 1, 1], [], []>, transpose_lhs_hint = false} : vector<256x1024xf32>, vector<1024x1024xf32>, vector<256x1024xf32> -> vector<256x1024xf32>
    %get3A_66 = arith.constant 0 : index
    %get3A_67 = arith.constant 0 : index
    %get3A_68 = vector.load %arg11[%get3A_66, %get3A_67] : memref<1x1024xf32, #tpu.memory_space<vmem>>, vector<1x1024xf32>
    %add3A_69 = vector.broadcast %get3A_68 : vector<1x1024xf32> to vector<256x1024xf32>
    %add3A_70 = arith.addf %dot_general3A_65, %add3A_69 : vector<256x1024xf32>
    %neg3A = arith.constant 0.000000e+00 : f32
    %neg3A_71 = vector.broadcast %neg3A : f32 to vector<256x1024xf32>
    %neg3A_72 = arith.subf %neg3A_71, %add3A_70 : vector<256x1024xf32>
    %exp3A = math.exp %neg3A_72 : vector<256x1024xf32>
    %add3A_73 = arith.constant 1.000000e+00 : f32
    %add3A_74 = vector.broadcast %add3A_73 : f32 to vector<256x1024xf32>
    %add3A_75 = arith.addf %add3A_74, %exp3A : vector<256x1024xf32>
    %div3A = arith.constant 1.000000e+00 : f32
    %div3A_76 = vector.broadcast %div3A : f32 to vector<256x1024xf32>
    %div3A_77 = arith.divf %div3A_76, %add3A_75 : vector<256x1024xf32>
    %swap3A_78 = arith.constant 0 : index
    %swap3A_79 = arith.constant 0 : index
    %swap3A_80 = vector.load %arg13[%swap3A_78, %swap3A_79] : memref<256x1024xf32, #tpu.memory_space<vmem>>, vector<256x1024xf32>
    tpu.vector_store %arg13[%swap3A_78, %swap3A_79], %div3A_77 {strides = array<i32>} : memref<256x1024xf32, #tpu.memory_space<vmem>>, vector<256x1024xf32>,
    %get3A_81 = arith.constant 0 : index
    %get3A_82 = arith.constant 0 : index
    %get3A_83 = vector.load %arg3[%get3A_81, %get3A_82] : memref<256x1024xf32, #tpu.memory_space<vmem>>, vector<256x1024xf32>
    %sub3A_84 = arith.subf %div3A_77, %get3A_83 : vector<256x1024xf32>
    %mul3A_85 = arith.mulf %sub3A_84, %sub3A_84 : vector<256x1024xf32>
    %reduce_sum3A_86 = vector.shape_cast %mul3A_85 : vector<256x1024xf32> to vector<1x256x1024xf32>
    %reduce_sum3A_87 = arith.constant dense<0.000000e+00> : vector<1xf32>
    %reduce_sum3A_88 = vector.multi_reduction <add>, %reduce_sum3A_86, %reduce_sum3A_87 [1, 2] : vector<1x256x1024xf32> to vector<1xf32>
    %reduce_sum3A_89 = vector.shape_cast %reduce_sum3A_88 : vector<1xf32> to vector<1x1x1xf32>
    %reduce_sum3A_90 = vector.extract %reduce_sum3A_89[0, 0, 0] : f32 from vector<1x1x1xf32>
    %broadcast_in_dim3A_91 = vector.broadcast %reduce_sum3A_90 : f32 to vector<1x1xf32>
    %eq3A = arith.constant 0 : i32
    %eq3A_92 = arith.cmpi eq, %arg0, %eq3A : i32
    %convert_element_type3A = arith.extui %eq3A_92 : i1 to i32
    %cond3A = arith.constant 0 : i32
    %cond3A_93 = arith.cmpi ne, %convert_element_type3A, %cond3A : i32
    scf.if %cond3A_93 {
      %swap3A_103 = arith.constant 0 : index
      %swap3A_104 = arith.constant 0 : index
      %swap3A_105 = vector.load %arg15[%swap3A_103, %swap3A_104] : memref<1x1xf32, #tpu.memory_space<vmem>>, vector<1x1xf32>
      tpu.vector_store %arg15[%swap3A_103, %swap3A_104], %broadcast_in_dim3A_91 {strides = array<i32>} : memref<1x1xf32, #tpu.memory_space<vmem>>, vector<1x1xf32>,
      %swap3A_106 = arith.constant 0 : index
      %swap3A_107 = arith.constant 0 : index
      %swap3A_108 = vector.load %arg16[%swap3A_106, %swap3A_107] : memref<1x1xf32, #tpu.memory_space<vmem>>, vector<1x1xf32>
      tpu.vector_store %arg16[%swap3A_106, %swap3A_107], %broadcast_in_dim3A {strides = array<i32>} : memref<1x1xf32, #tpu.memory_space<vmem>>, vector<1x1xf32>,
    } else {
    }
    %gt3A = arith.constant 0 : i32
    %gt3A_94 = arith.cmpi sgt, %arg0, %gt3A : i32
    %convert_element_type3A_95 = arith.extui %gt3A_94 : i1 to i32
    %cond3A_96 = arith.constant 0 : i32
    %cond3A_97 = arith.cmpi ne, %convert_element_type3A_95, %cond3A_96 : i32
    scf.if %cond3A_97 {
      %get3A_103 = arith.constant 0 : index
      %get3A_104 = arith.constant 0 : index
      %get3A_105 = vector.load %arg15[%get3A_103, %get3A_104] : memref<1x1xf32, #tpu.memory_space<vmem>>, vector<1x1xf32>
      %add3A_106 = arith.addf %get3A_105, %broadcast_in_dim3A_91 : vector<1x1xf32>
      %swap3A_107 = arith.constant 0 : index
      %swap3A_108 = arith.constant 0 : index
      %swap3A_109 = vector.load %arg15[%swap3A_107, %swap3A_108] : memref<1x1xf32, #tpu.memory_space<vmem>>, vector<1x1xf32>
      tpu.vector_store %arg15[%swap3A_107, %swap3A_108], %add3A_106 {strides = array<i32>} : memref<1x1xf32, #tpu.memory_space<vmem>>, vector<1x1xf32>,
      %get3A_110 = arith.constant 0 : index
      %get3A_111 = arith.constant 0 : index
      %get3A_112 = vector.load %arg16[%get3A_110, %get3A_111] : memref<1x1xf32, #tpu.memory_space<vmem>>, vector<1x1xf32>
      %add3A_113 = arith.addf %get3A_112, %broadcast_in_dim3A : vector<1x1xf32>
      %swap3A_114 = arith.constant 0 : index
      %swap3A_115 = arith.constant 0 : index
      %swap3A_116 = vector.load %arg16[%swap3A_114, %swap3A_115] : memref<1x1xf32, #tpu.memory_space<vmem>>, vector<1x1xf32>
      tpu.vector_store %arg16[%swap3A_114, %swap3A_115], %add3A_113 {strides = array<i32>} : memref<1x1xf32, #tpu.memory_space<vmem>>, vector<1x1xf32>,
    } else {
    }
    %eq3A_98 = arith.constant 3 : i32
    %eq3A_99 = arith.cmpi eq, %arg0, %eq3A_98 : i32
    %convert_element_type3A_100 = arith.extui %eq3A_99 : i1 to i32
    %cond3A_101 = arith.constant 0 : i32
    %cond3A_102 = arith.cmpi ne, %convert_element_type3A_100, %cond3A_101 : i32
    scf.if %cond3A_102 {
      %get3A_103 = arith.constant 0 : index
      %get3A_104 = arith.constant 0 : index
      %get3A_105 = vector.load %arg15[%get3A_103, %get3A_104] : memref<1x1xf32, #tpu.memory_space<vmem>>, vector<1x1xf32>
      %mul3A_106 = arith.constant 9.765625E-4 : f32
      %mul3A_107 = vector.broadcast %mul3A_106 : f32 to vector<1x1xf32>
      %mul3A_108 = arith.mulf %get3A_105, %mul3A_107 : vector<1x1xf32>
      %get3A_109 = arith.constant 0 : index
      %get3A_110 = arith.constant 0 : index
      %get3A_111 = vector.load %arg16[%get3A_109, %get3A_110] : memref<1x1xf32, #tpu.memory_space<vmem>>, vector<1x1xf32>
      %mul3A_112 = arith.constant 9.765625E-4 : f32
      %mul3A_113 = vector.broadcast %mul3A_112 : f32 to vector<1x1xf32>
      %mul3A_114 = arith.mulf %get3A_111, %mul3A_113 : vector<1x1xf32>
      %swap3A_115 = arith.constant 0 : index
      %swap3A_116 = arith.constant 0 : index
      %swap3A_117 = vector.load %arg15[%swap3A_115, %swap3A_116] : memref<1x1xf32, #tpu.memory_space<vmem>>, vector<1x1xf32>
      tpu.vector_store %arg15[%swap3A_115, %swap3A_116], %mul3A_108 {strides = array<i32>} : memref<1x1xf32, #tpu.memory_space<vmem>>, vector<1x1xf32>,
      %swap3A_118 = arith.constant 0 : index
      %swap3A_119 = arith.constant 0 : index
      %swap3A_120 = vector.load %arg16[%swap3A_118, %swap3A_119] : memref<1x1xf32, #tpu.memory_space<vmem>>, vector<1x1xf32>
      tpu.vector_store %arg16[%swap3A_118, %swap3A_119], %mul3A_114 {strides = array<i32>} : memref<1x1xf32, #tpu.memory_space<vmem>>, vector<1x1xf32>,
      %add3A_121 = arith.addf %mul3A_108, %mul3A_114 : vector<1x1xf32>
      %swap3A_122 = arith.constant 0 : index
      %swap3A_123 = arith.constant 0 : index
      %swap3A_124 = vector.load %arg14[%swap3A_122, %swap3A_123] : memref<1x1xf32, #tpu.memory_space<vmem>>, vector<1x1xf32>
      tpu.vector_store %arg14[%swap3A_122, %swap3A_123], %add3A_121 {strides = array<i32>} : memref<1x1xf32, #tpu.memory_space<vmem>>, vector<1x1xf32>,
    } else {
    }
    return
  }
  func.func @transform_0(%arg0: i32) -> (i32, i32) {
    %c0_i32 = arith.constant 0 : i32
    %c0_i32_0 = arith.constant 0 : i32
    return %arg0, %c0_i32 : i32, i32
  }
  func.func @transform_1(%arg0: i32) -> (i32, i32) {
    %c0_i32 = arith.constant 0 : i32
    %c0_i32_0 = arith.constant 0 : i32
    return %arg0, %c0_i32 : i32, i32
  }
  func.func @transform_2(%arg0: i32) -> (i32, i32) {
    %c0_i32 = arith.constant 0 : i32
    %c0_i32_0 = arith.constant 0 : i32
    return %arg0, %c0_i32 : i32, i32
  }
  func.func @transform_3(%arg0: i32) -> (i32, i32) {
    %c0_i32 = arith.constant 0 : i32
    %c0_i32_0 = arith.constant 0 : i32
    %c0_i32_1 = arith.constant 0 : i32
    return %c0_i32, %c0_i32_0 : i32, i32
  }
  func.func @transform_4(%arg0: i32) -> (i32, i32) {
    %c0_i32 = arith.constant 0 : i32
    %c0_i32_0 = arith.constant 0 : i32
    %c0_i32_1 = arith.constant 0 : i32
    return %c0_i32, %c0_i32_0 : i32, i32
  }
  func.func @transform_5(%arg0: i32) -> (i32, i32) {
    %c0_i32 = arith.constant 0 : i32
    %c0_i32_0 = arith.constant 0 : i32
    %c0_i32_1 = arith.constant 0 : i32
    return %c0_i32, %c0_i32_0 : i32, i32
  }
  func.func @transform_6(%arg0: i32) -> (i32, i32) {
    %c0_i32 = arith.constant 0 : i32
    %c0_i32_0 = arith.constant 0 : i32
    %c0_i32_1 = arith.constant 0 : i32
    return %c0_i32, %c0_i32_0 : i32, i32
  }
  func.func @transform_7(%arg0: i32) -> (i32, i32) {
    %c0_i32 = arith.constant 0 : i32
    %c0_i32_0 = arith.constant 0 : i32
    %c0_i32_1 = arith.constant 0 : i32
    return %c0_i32, %c0_i32_0 : i32, i32
  }
  func.func @transform_8(%arg0: i32) -> (i32, i32) {
    %c0_i32 = arith.constant 0 : i32
    %c0_i32_0 = arith.constant 0 : i32
    %c0_i32_1 = arith.constant 0 : i32
    return %c0_i32, %c0_i32_0 : i32, i32
  }
  func.func @transform_9(%arg0: i32) -> (i32, i32) {
    %c0_i32 = arith.constant 0 : i32
    %c0_i32_0 = arith.constant 0 : i32
    %c0_i32_1 = arith.constant 0 : i32
    return %c0_i32, %c0_i32_0 : i32, i32
  }
  func.func @transform_10(%arg0: i32) -> (i32, i32) {
    %c0_i32 = arith.constant 0 : i32
    %c0_i32_0 = arith.constant 0 : i32
    %c0_i32_1 = arith.constant 0 : i32
    return %c0_i32, %c0_i32_0 : i32, i32
  }
  func.func @transform_11(%arg0: i32) -> (i32, i32) {
    %c0_i32 = arith.constant 0 : i32
    %c0_i32_0 = arith.constant 0 : i32
    return %arg0, %c0_i32 : i32, i32
  }
  func.func @transform_12(%arg0: i32) -> (i32, i32) {
    %c0_i32 = arith.constant 0 : i32
    %c0_i32_0 = arith.constant 0 : i32
    return %arg0, %c0_i32 : i32, i32
  }
  func.func @transform_13(%arg0: i32) -> (i32, i32) {
    %c0_i32 = arith.constant 0 : i32
    %c0_i32_0 = arith.constant 0 : i32
    %c0_i32_1 = arith.constant 0 : i32
    return %c0_i32, %c0_i32_0 : i32, i32
  }
  func.func @transform_14(%arg0: i32) -> (i32, i32) {
    %c0_i32 = arith.constant 0 : i32
    %c0_i32_0 = arith.constant 0 : i32
    %c0_i32_1 = arith.constant 0 : i32
    return %c0_i32, %c0_i32_0 : i32, i32
  }
  func.func @transform_15(%arg0: i32) -> (i32, i32) {
    %c0_i32 = arith.constant 0 : i32
    %c0_i32_0 = arith.constant 0 : i32
    %c0_i32_1 = arith.constant 0 : i32
    return %c0_i32, %c0_i32_0 : i32, i32
  }
}

</mosaic_0001>

<sc_bundles>
// kernel: kernel.5.cloned.1.call-start
scs
__scs_entry_jumppad:
0x0: {  	(pc) =	sbr.rel $0x88, $3  }
0x1: {  	(tag) =	ssettag $0x0;
	lr =	simm.s32 $0x1  }
0x2: {  	[smem:$0x3F8F] =	sst lr;
	_ =	strace $0xD0000000  }
0x3: {  	_ = 	snop  }
0x4: {  	_ = 	snop  }
0x5: {  	_ = 	snop  }
0x6: {  	_ = 	snop  }
0x7: {  	_ = 	snop  }
__scs_overlays_trampoline_lowered:
0x8: {  	[smem:$0x3F9E] =	sst s0  }
0x9: {  	[smem:$0x3F9F] =	sst s1  }
0xa: {  	[smem:$0x3FA0] =	sst s2  }
0xb: {  	[smem:$0x3FA1] =	sst s3  }
0xc: {  	[smem:$0x3FA2] =	sst s4  }
0xd: {  	[smem:$0x3FA3] =	sst s5  }
0xe: {  	[smem:$0x3FA4] =	sst s6  }
0xf: {  	[smem:$0x3FA5] =	sst s7  }
0x10: {  	[smem:$0x3FA6] =	sst s8  }
0x11: {  	[smem:$0x3FA7] =	sst s9;
	s0 =	simm.s32 @!p0 $0x0  }
0x12: {  	s1 =	sld [smem:$0x3F8D];
	s0 =	simm.s32 @p0 $0x1  }
0x13: {  	[smem:$0x3FA8] =	sst s0;
	s0 =	simm.s32 @!p1 $0x0  }
0x14: {  	s2 =	sld [smem:$0x3F8C];
	s0 =	simm.s32 @p1 $0x1  }
0x15: {  	[smem:$0x3FA9] =	sst s0;
	s0 =	simm.s32 @!p2 $0x0  }
0x16: {  	s3 =	sld [smem:$0x3FDB];
	s0 =	simm.s32 @p2 $0x1  }
0x17: {  	s4 =	simm.s32 $0x1BF5;
	[smem:$0x3FAB] =	sst s0  }
0x18: {  	s0 =	sld [smem:$0x3F8E];
	_ =	swait.ge [sflag:s4], $0x0  }
0x19: {  	s7 =	sld [smem:$0x3F8F]  }
0x1a: {  	s8 =	sadd.s32 $0xFFFFE003, lr  }
0x1b: {  	s9 =	sadd.s32 $0xFFFFFEF7, lr;
	s5 =	simm.s32 $0xFFFFFFFF;
	p2 =	slt.u32 s8, $0xFFFFF086  }
0x1c: {  	p1 =	slt.u32 s9, $0xF7A;
	s5 =	simm.s32 @!p2 $0x0  }
0x1d: {  	s5 =	simm.s32 @p1 $0x1;
	p0 =	seq.s32 s7, s2  }
0x1e: {  	s7 =	smul.u32 @!p0 $0xF7A, s2;
	p2 =	seq.s32 @!p0 s5, $0x0  }
0x1f: {  	s9 =	smul.u32 $0xF7A, s1;
	s8 =	simm.s32 @!p0 $0x1BF5;
	p2 =	por !p2, p0  }
0x20: {  	[sflag:s8] =	ssyncset.s32 @!p0 $0xFFFFF086;
	s6 =	sadd.s32 @!p0 s3, s7;
	s7 =	simm.s32 @!p0 $0x108  }
0x21: {  	s3 =	sadd.s32 s3, s9;
	s6 =	sadd.s32 @!p0 $0x88, s6;
	s7 =	simm.s32 @p2 $0x1082  }
0x22: {  	[simem:s7], [sflag:s8] =	dma.local @!p0 [hbm:s6], $0xF7A  }
0x23: {  	s9 =	sor.u32 $0xD0000000, s2;
	s6 =	simm.s32 $0x108;
	_ =	swait.ge @!p0 [sflag:s8], $0x0  }
0x24: {  	s3 =	sadd.s32 $0x88, s3;
	s6 =	simm.s32 @!p1 $0x1082;
	[sflag:s4] =	ssyncset.s32 $0xFFFFF086  }
0x25: {  	[simem:s6], [sflag:s4] =	dma.local [hbm:s3], $0xF7A  }
0x26: {  	[smem:$0x3F8F] =	sst s1;
	(tag) =	ssettag s2;
	_ =	strace s9  }
0x27: {  	s1 =	sld [smem:$0x3F9F]  }
0x28: {  	s2 =	sld [smem:$0x3FA0]  }
0x29: {  	s4 =	sld [smem:$0x3FA2]  }
0x2a: {  	p0 =	seq.s32 s5, $0x0;
	s5 =	sld [smem:$0x3FA3]  }
0x2b: {  	s6 =	sld [smem:$0x3FA4]  }
0x2c: {  	s7 =	sld [smem:$0x3FA5]  }
0x2d: {  	s3 =	simm.s32 $0x108;
	s8 =	sld [smem:$0x3FA6]  }
0x2e: {  	s3 =	simm.s32 @!p0 $0x1082;
	s9 =	sld [smem:$0x3FA7]  }
0x2f: {  	lr =	sadd.s32 s0, s3;
	s0 =	sld [smem:$0x3F9E]  }
0x30: {  	s3 =	sld [smem:$0x3FA1]  }
0x31: {  	[smem:$0x3FAA] =	sst s10  }
0x32: {  	s10 =	sld [smem:$0x3FA8];
	_ =	sdelay $0x3  }
0x33: {  	p0 =	seq.s32 s10, $0x1;
	s10 =	sld [smem:$0x3FAA];
	_ =	sdelay $0x3  }
0x34: {  	[smem:$0x3FAA] =	sst s10  }
0x35: {  	s10 =	sld [smem:$0x3FA9];
	_ =	sdelay $0x3  }
0x36: {  	p1 =	seq.s32 s10, $0x1;
	s10 =	sld [smem:$0x3FAA];
	_ =	sdelay $0x3  }
0x37: {  	[smem:$0x3FAA] =	sst s10  }
0x38: {  	s10 =	sld [smem:$0x3FAB]  }
0x39: {  	_ = 	snop;
	(pc) =	sbr.ind lr, $3  }
0x3a: {  	_ = 	snop  }
0x3b: {  	_ = 	snop  }
0x3c: {  	p2 =	seq.s32 s10, $0x1;
	s10 =	sld [smem:$0x3FAA]  }
0x3d: {  	_ =	shalt  }
0x3e: {  	_ =	shalt  }
0x3f: {  	_ =	shalt  }
0x40: {  	_ =	shalt  }
0x41: {  	_ =	shalt  }
0x42: {  	_ =	shalt  }
0x43: {  	_ =	shalt  }
0x44: {  	_ =	shalt  }
0x45: {  	_ =	shalt  }
0x46: {  	_ =	shalt  }
0x47: {  	_ =	shalt  }
0x48: {  	_ =	shalt  }
0x49: {  	_ =	shalt  }
0x4a: {  	_ =	shalt  }
0x4b: {  	_ =	shalt  }
0x4c: {  	_ =	shalt  }
0x4d: {  	_ =	shalt  }
0x4e: {  	_ =	shalt  }
0x4f: {  	_ =	shalt  }
0x50: {  	_ =	shalt  }
0x51: {  	_ =	shalt  }
0x52: {  	_ =	shalt  }
0x53: {  	_ =	shalt  }
0x54: {  	_ =	shalt  }
0x55: {  	_ =	shalt  }
0x56: {  	_ =	shalt  }
0x57: {  	_ =	shalt  }
0x58: {  	_ =	shalt  }
0x59: {  	_ =	shalt  }
0x5a: {  	_ =	shalt  }
0x5b: {  	_ =	shalt  }
0x5c: {  	_ =	shalt  }
0x5d: {  	_ =	shalt  }
0x5e: {  	_ =	shalt  }
0x5f: {  	_ =	shalt  }
0x60: {  	_ =	shalt  }
0x61: {  	_ =	shalt  }
0x62: {  	_ =	shalt  }
0x63: {  	_ =	shalt  }
0x64: {  	_ =	shalt  }
0x65: {  	_ =	shalt  }
0x66: {  	_ =	shalt  }
0x67: {  	_ =	shalt  }
0x68: {  	_ =	shalt  }
0x69: {  	_ =	shalt  }
0x6a: {  	_ =	shalt  }
0x6b: {  	_ =	shalt  }
0x6c: {  	_ =	shalt  }
0x6d: {  	_ =	shalt  }
0x6e: {  	_ =	shalt  }
0x6f: {  	_ =	shalt  }
0x70: {  	_ =	shalt  }
0x71: {  	_ =	shalt  }
0x72: {  	_ =	shalt  }
0x73: {  	_ =	shalt  }
0x74: {  	_ =	shalt  }
0x75: {  	_ =	shalt  }
0x76: {  	_ =	shalt  }
0x77: {  	_ =	shalt  }
0x78: {  	_ =	shalt  }
0x79: {  	_ =	shalt  }
0x7a: {  	_ =	shalt  }
0x7b: {  	_ =	shalt  }
0x7c: {  	_ =	shalt  }
0x7d: {  	_ =	shalt  }
0x7e: {  	_ =	shalt  }
0x7f: {  	_ =	shalt  }
0x80: {  	_ =	shalt  }
0x81: {  	_ =	shalt  }
0x82: {  	_ =	shalt  }
0x83: {  	_ =	shalt  }
0x84: {  	_ =	shalt  }
0x85: {  	_ =	shalt  }
0x86: {  	_ =	shalt  }
0x87: {  	_ =	shalt  }
.Lfunc_end0:
.L_simem_size_0:
called_computation_lowered:
.L_overlay_start_0:
0x88: {  	s2 =	sld [smem:$0x3FD9]  }
0x89: {  	s3 =	sld [smem:$0x3FFE];
	_ =	sdelay $0x1  }
0x8a: {  	s1 =	srdreg.scid  }
0x8b: {  	s0 =	sand.u32 $0x1, s1  }
0x8c: {  	s14 =	sshll.u32 s0, $0xA;
	s2 =	sadd.s32 s3, s2  }
0x8d: {  	s2 =	sadd.s32 s2, s14  }
0x8e: {  	[smem:$0x3FB6] =	sst s2  }
0x8f: {  	_ = 	snop  }
0x90: {  	s2 =	sld [smem:$0x3FD0];
	_ =	sdelay $0x2  }
0x91: {  	s15 =	simm.s32 $0xA;
	s4 =	simm.s32 $0x10  }
0x92: {  	[smem:s4], [sflag:s15] =	dma.local [hbm:s2], $0x1  }
0x93: {  	_ =	swait.eq [sflag:s15], $0x1  }
0x94: {  	[sflag:s15] =	ssyncset.done $0x0  }
0x95: {  	s16 =	sld [smem:$0x11];
	[sflag:s15] =	ssyncadd.s32 $0xFFFFFFFF  }
0x96: {  	s17 =	sld [smem:$0x12];
	(tm) =	ssettm $0x1  }
0x97: {  	s18 =	sld [smem:$0x3FFB];
	_ =	sdelay $0x3  }
0x98: {  	_ =	strace s18  }
0x99: {  	s4 =	sld [smem:$0x3FFC];
	_ =	sdelay $0x3  }
0x9a: {  	_ =	strace s4  }
0x9b: {  	s4 =	sld [smem:$0x3FFD];
	_ =	sdelay $0x3  }
0x9c: {  	_ =	strace s4  }
0x9d: {  	_ =	strace $0x8FFFFFFF  }
0x9e: {  	s19 =	sld [smem:$0x3FDB];
	_ =	sdelay $0x1  }
0x9f: {  	s5 =	simm.s32 $_scs_section_size  }
0xa0: {  	s6 =	simm.s32 $_size__tile_overlayer_lowered;
	s7 =	simm.s32 $_tile_overlayer_lowered  }
0xa1: {  	s22 =	simm.s32 $0x1BFF;
	s21 =	sshll.u32 s7, $0x1;
	s4 =	sadd.s32 s5, s19  }
0xa2: {  	s8 =	simm.s32 $0x0;
	s20 =	sshll.u32 s6, $0x1;
	s6 =	sadd.s32 s21, s4  }
0xa3: {  	[timem:s8], [sflag:s22] =	dma.local [hbm:s6], s20  }
0xa4: {  	_ =	swait.ge [sflag:s22], s20  }
0xa5: {  	s5 =	ssub.s32 $0x0, s20;
	[sflag:s22] =	ssyncset.done $0x0  }
0xa6: {  	[sflag:s22] =	ssyncadd.s32 s5;
	_ =	sdelay $0x1  }
0xa7: {  	s23 =	simm.s32 $0x1B8B  }
0xa8: {  	_ =	swait.ge [sflag:s23], $0x1  }
0xa9: {  	[sflag:s23] =	ssyncset.done $0x0  }
0xaa: {  	s25 =	simm.s32 $0x1B8E;
	s24 =	sld [smem:$0x3FFE];
	[sflag:s23] =	ssyncadd.s32 $0xFFFFFFFF  }
0xab: {  	s26 =	simm.s32 $execute0_lowered;
	[smem:$0x3FD2] =	sst s25  }
0xac: {  	s6 =	sshll.u32 s26, $0x1;
	_ =	strace $0x80000046;
	[dreg:$0x1] =	wrdreg $0xFFFFFFFF  }
0xad: {  	s28 =	simm.s32 $_size_execute0_lowered;
	s4 =	sadd.s32 s4, s6;
	[dreg:$0x0] =	wrdreg $0x0  }
0xae: {  	s6 =	sshll.u32 s28, $0x1;
	[dreg:$0x2] =	wrdreg s4  }
0xaf: {  	[dreg:$0x3] =	wrdreg s6  }
0xb0: {  	[dreg:$0x4] =	wrdreg $0xC0  }
0xb1: {  	_ =	task [dreg:s8], $0x5FFFF  }
0xb2: {  	[dreg:$0x1] =	wrdreg $0xFFFFFFFF  }
0xb3: {  	[dreg:$0x0] =	wrdreg $0x60  }
0xb4: {  	[dreg:$0x2] =	wrdreg s16  }
0xb5: {  	[dreg:$0x3] =	wrdreg s24  }
0xb6: {  	[dreg:$0x4] =	wrdreg s17  }
0xb7: {  	[dreg:$0x5] =	wrdreg $0x9  }
0xb8: {  	_ =	task.clear_ibuf [dreg:s8], $0x6FFFF;
	_ =	strace $0x90000046  }
0xb9: {  	s29 =	simm.s32 $0x9;
	_ =	strace $0x80000048  }
0xba: {  	_ =	swait.ge [sflag:s29], $0x1  }
0xbb: {  	[sflag:s29] =	ssyncadd.s32 $0xFFFFFFFF  }
0xbc: {  	_ =	strace $0x90000048  }
0xbd: {  	_ =	sfence  }
0xbe: {  	s30 =	sld [smem:$0x0];
	_ =	sdelay $0x2  }
0xbf: {  	s31 =	sshll.u32 s1, $0xD;
	s1 =	sshrl.u32 s1, $0x2  }
0xc0: {  	s3 =	sand.u32 $0x4000, s31;
	s1 =	sadd.s32 s1, s30  }
0xc1: {  	s0 =	sor.u32 s3, s0;
	s1 =	sshll.u32 s1, $0x11  }
0xc2: {  	s0 =	sor.u32 s1, s0  }
0xc3: {  	s0 =	sadd.s32 $0x8F2B, s0  }
0xc4: {  	[sflag:s0] =	ssyncadd.remote.s32 $0x1  }
0xc5: {  	_ =	sfence.sel $0xFFFF  }
0xc6: {  	[dreg:$0x0] =	wrdreg $0xFFFFFFFF;
	(pc) =	sbr.abs _section_cstart, $3  }
0xc7: {  	[dreg:$0x1] =	wrdreg $0xFFFFFFFF  }
0xc8: {  	_ =	task.clear_ibuf [dreg:s8], $0x2FFFF;
	_ =	strace $0x9FFFFFFF  }
0xc9: {  	(tm) =	ssettm $0x7FFFFFFF  }
tec
execute0_lowered:
.L_overlay_start_1:
0x0: {  	(tag) =	ssettag $0x1  }
0x1: {  	s2 =	srdreg.scid  }
0x2: {  	s1 =	rddreg [dreg:$0x0];
	s0 =	stileid.u32;
	s6 =	sand.u32 $0x1, s2  }
0x3: {  	s4 =	rddreg [dreg:$0x1];
	s30 =	sshll.u32 s0, $0x9;
	s3 =	sshll.u32 s6, $0x8  }
0x4: {  	s8 =	rddreg [dreg:$0x2];
	s9 =	sor.u32 s3, s30  }
0x5: {  	s2 =	rddreg [dreg:$0x3];
	s3 =	simm.s32 $0x0;
	s5 =	sshrl.u32 s9, $0x3  }
0x6: {  	s10 =	ssub.s32 $0x2, s6;
	[smem:$0x7FF] =	sst s3;
	s4 =	sadd.s32 s5, s4  }
0x7: {  	_ =	strace $0x80000047;
	s5 =	sadd.s32 $0xA00, s4;
	s4 =	simm.s32 $0x2  }
0x8: {  	[tilespmem:s3], [sflag:$0x2] =	stream.linear.gather [hbm4b:s5+s3], $0x100, $0x38;
	[tilespmem:$0x2100] =	vst v63  }
0x9: {  	s11 =	sshrl.u32 s10, $0x1;
	_ =	swait.ge [sflag:s4], $0x100  }
0xa: {  	s7 =	simm.s32 $0x1;
	s10 =	ssub.s32 s10, s11;
	[sflag:s4] =	ssyncset.done $0x0  }
0xb: {  	s6 =	simm.s32 $0x100;
	s31 =	smax.u32 s10, $0x1;
	[sflag:s4] =	ssyncadd.s32 $0xFFFFFF00  }
0xc: {  	[tilespmem:s6], [sflag:$0x1] =	stream.indirect.gather [hbm4b:s1+s6], $0x20, s3, s6, $0xb8;
	[tilespmem:$0x2100] =	vst v63  }
0xd: {  	p0 =	sne.s32 s31, $0x1;
	_ =	swait.ge [sflag:s7], $0x2000  }
.Ltmp0:
0xe: {  	s9 =	sshll.u32 s9, $0x2;
	[sflag:s7] =	ssyncset.done $0x0;
	(pc) =	sbr.rel @!p0 .LBB2_2-.Ltmp0, $4  }
0xf: {  	s8 =	sadd.s32 s8, s9;
	[sflag:s7] =	ssyncadd.s32 $0xFFFFE000  }
0x10: {  	[hbm4b:s8+s3] =	stream.linear.scatter [tilespmem:s6], [sflag:$0x2], $0x2000, $0x38;
	[tilespmem:$0x2100] =	vst v63  }
0x11: {  	_ =	swait.ge [sflag:s4], $0x2000  }
0x12: {  	s9 =	sadd.s32 $0xFFFFFFFF, s31;
	[sflag:s4] =	ssyncset.done $0x0  }
.LBB2_1:
0x13: {  	p0 =	sne.s32 s9, $0x1;
	s9 =	sadd.s32 $0xFFFFFFFF, s9;
	[sflag:s4] =	ssyncadd.s32 $0xFFFFE000  }
0x14: {  	[tilespmem:s3], [sflag:$0x2] =	stream.linear.gather [hbm4b:s5+s3], $0x100, $0x38;
	[tilespmem:$0x2100] =	vst v63  }
0x15: {  	_ =	swait.ge [sflag:s4], $0x100  }
0x16: {  	[sflag:s4] =	ssyncset.done $0x0  }
0x17: {  	[sflag:s4] =	ssyncadd.s32 $0xFFFFFF00  }
0x18: {  	[tilespmem:s6], [sflag:$0x1] =	stream.indirect.gather [hbm4b:s1+s6], $0x20, s3, s6, $0xb8;
	[tilespmem:$0x2100] =	vst v63  }
0x19: {  	_ =	swait.ge [sflag:s7], $0x2000  }
.Ltmp1:
0x1a: {  	[sflag:s7] =	ssyncset.done $0x0;
	(pc) =	sbr.rel @p0 .LBB2_1-.Ltmp1, $4  }
0x1b: {  	[sflag:s7] =	ssyncadd.s32 $0xFFFFE000  }
0x1c: {  	[hbm4b:s8+s3] =	stream.linear.scatter [tilespmem:s6], [sflag:$0x2], $0x2000, $0x38;
	[tilespmem:$0x2100] =	vst v63  }
0x1d: {  	_ =	swait.ge [sflag:s4], $0x2000  }
0x1e: {  	[sflag:s4] =	ssyncset.done $0x0  }
.LBB2_2:
0x1f: {  	[sflag:s4] =	ssyncadd.s32 $0xFFFFE000  }
0x20: {  	_ =	sfence.sel $0x180000  }
0x21: {  	[bflag:$0x0] =	sbarrier.arrive $0xFFFF  }
0x22: {  	p0 =	sne.s32 s0, $0x0;
	_ =	strace $0x90000047  }
0x23: {  	s0 =	sadd.s32 @!p0 $0x100000, s2;
	[bflag:$0x2] =	sbarrier.arrive $0xFFFF  }
0x24: {  	[sflag:s0] =	ssyncadd.tile.s32 @!p0 $0x1;
	_ =	shalt  }
.Lfunc_end2:
_tile_overlayer_lowered:
.L_overlay_start_2:
0x25: {  	(tag) =	ssettag $0x2  }
0x26: {  	s0 =	rddreg [dreg:$0x0];
	s2 =	stileid.u32  }
0x27: {  	s1 =	rddreg [dreg:$0x1];
	p0 =	sne.s32 s2, $0x0  }
0x28: {  	s3 =	rddreg [dreg:$0x2];
	[bflag:$0x3] =	sbarrier.arrive $0xFFFF;
	s2 =	simm.s32 @!p0 $0x1C02  }
0x29: {  	[timem:s3], [sflag:s2] =	dma.local @!p0 [hbm:s0], s1  }
0x2a: {  	s0 =	simm.s32 @!p0 $0x2  }
0x2b: {  	_ =	swait.ge @!p0 [sflag:s0], s1  }
0x2c: {  	s1 =	ssub.s32 @!p0 $0x0, s1;
	[sflag:s0] =	ssyncset.done @!p0 $0x0  }
0x2d: {  	[sflag:s0] =	ssyncadd.s32 @!p0 s1  }
0x2e: {  	[bflag:$0x3] =	sbarrier.arrive $0xFFFF  }
0x2f: {  	_ =	shalt  }

</sc_bundles>
